<compile_context>
chip_gen: v7x
topology: tpu7x:2x2x1
jax: 0.10.2.dev20260603
libtpu: 0.0.44.dev20260713+nightly
codegen_flags: <defaults>
</compile_context>

<pallas_src>
import math

import jax
import jax.numpy as jnp
from jax import lax
from jax.experimental import pallas as pl
from jax.experimental.pallas import tpu as pltpu
from jax.experimental.pallas import tpu_sc as plsc

BASE_GSD = 10.0
HW_BLK = 256
B_BLK = 1


def _sc_gather_body(months, mtab, out, mons_v, mrows_v, si):
    sid = lax.axis_index("s")
    cid = lax.axis_index("c")
    nb = out.shape[0]

    @pl.when((sid < nb) & (cid == 0))
    def _():
        b = sid
        pltpu.sync_copy(months.at[b], mons_v)
        pltpu.async_copy(mtab.at[mons_v], mrows_v, si).wait()
        pltpu.sync_copy(mrows_v, out.at[b])


def _tc_dense_body(gsd_ref, a1n_ref, mrows_ref, x_ref, o_ref):
    f32 = jnp.float32
    gsd = gsd_ref[0, 0]
    hwb = pl.program_id(1)
    t, cg = 12, 4

    m48 = jnp.broadcast_to(
        mrows_ref[0][:t, None, :], (t, cg, 128)).reshape(t * cg, 128)
    a1 = a1n_ref[...] + m48

    hw = hwb * HW_BLK + lax.broadcasted_iota(jnp.int32, (HW_BLK, 8), 0)
    iv = (hw // 16).astype(f32) * gsd
    jv = (hw % 16).astype(f32) * gsd
    om8 = 1.0 / (10000.0 ** (
        lax.broadcasted_iota(jnp.int32, (HW_BLK, 8), 1).astype(f32) / 8.0))
    aj = jv * om8
    ai = iv * om8
    sp = jnp.concatenate([
        jnp.zeros((HW_BLK, 96), f32),
        jnp.sin(aj), jnp.cos(aj), jnp.sin(ai), jnp.cos(ai),
    ], axis=1)

    o_ref[0] = x_ref[0] + a1[None, :, :] + sp[:, None, :]


def kernel(per_modality_input_tokens, timestamps, channel_embed, patch_size,
           input_res):
    x = per_modality_input_tokens
    b, h, w, t, cg, D = x.shape
    f32 = jnp.float32
    xr = x.reshape(b, h * w, t * cg, D)

    om16 = 1.0 / (10000.0 ** (jnp.arange(16, dtype=f32) / 16.0))
    targ = jnp.arange(t, dtype=f32)[:, None] * om16[None, :]
    pos32 = jnp.concatenate([jnp.sin(targ), jnp.cos(targ)], axis=1)
    mang = jnp.arange(12, dtype=f32) / f32(12.0 / (2.0 * math.pi))
    mtab = jnp.concatenate([
        jnp.zeros((12, 64), f32),
        jnp.broadcast_to(jnp.sin(mang)[:, None], (12, 16)),
        jnp.broadcast_to(jnp.cos(mang)[:, None], (12, 16)),
        jnp.zeros((12, D - 96), f32),
    ], axis=1)

    ch48 = jnp.tile(channel_embed.astype(f32), (t, 1))
    pos48 = jnp.repeat(pos32, cg, axis=0)
    a1n = jnp.concatenate(
        [ch48, pos48, jnp.zeros((t * cg, 64), f32)], axis=1)

    months = jnp.zeros((b, 16), jnp.int32)
    months = months.at[:, :t].set(timestamps[:, 1, :].astype(jnp.int32))

    mesh = plsc.VectorSubcoreMesh(core_axis_name="c", subcore_axis_name="s")
    mrows = pl.kernel(
        _sc_gather_body, mesh=mesh,
        out_type=jax.ShapeDtypeStruct((b, 16, D), f32),
        scratch_types=[
            pltpu.VMEM((16,), jnp.int32),
            pltpu.VMEM((16, D), f32),
            pltpu.SemaphoreType.DMA,
        ],
    )(months, mtab)

    gsd = (jnp.asarray(input_res).astype(f32)
           * jnp.asarray(patch_size).astype(f32) / BASE_GSD).reshape(1, 1)
    out = pl.pallas_call(
        _tc_dense_body,
        grid=(b // B_BLK, (h * w) // HW_BLK),
        in_specs=[
            pl.BlockSpec(memory_space=pltpu.SMEM),
            pl.BlockSpec((t * cg, D), lambda bi, hi: (0, 0)),
            pl.BlockSpec((1, 16, D), lambda bi, hi: (bi, 0, 0)),
            pl.BlockSpec((B_BLK, HW_BLK, t * cg, D),
                         lambda bi, hi: (bi, hi, 0, 0)),
        ],
        out_specs=pl.BlockSpec((B_BLK, HW_BLK, t * cg, D),
                               lambda bi, hi: (bi, hi, 0, 0)),
        out_shape=jax.ShapeDtypeStruct(xr.shape, xr.dtype),
        compiler_params=pltpu.CompilerParams(
            dimension_semantics=("parallel", "parallel")),
    )(gsd, a1n, mrows, xr)
    return out.reshape(b, h, w, t, cg, D)

# --- scband reference (transcript-rebuilt; emitter-appended) ---
"""Pipeline reference for scband-flexi-helios-composite-encodings-27702539059718 (READ-ONLY COPY).

The authoritative reference and input builder live on the scoring server;
editing this copy changes nothing except your own understanding.
"""

import jax, jax.numpy as jnp
import numpy as np

BASE_GSD = 10.0
MAX_SEQ_LEN = 24


def get_1d_sincos(pos, d):
    omega = jnp.arange(d // 2, dtype=jnp.float32) / (d / 2.0)
    omega = 1.0 / (10000.0 ** omega)
    out = pos.reshape(-1).astype(jnp.float32)[:, None] * omega[None, :]
    return jnp.concatenate([jnp.sin(out), jnp.cos(out)], axis=1)


def get_month_table(d):
    angles = jnp.arange(13, dtype=jnp.float32) / (12.0 / (2.0 * np.pi))
    sin_t = jnp.sin(jnp.stack([angles] * (d // 2), axis=-1))
    cos_t = jnp.cos(jnp.stack([angles] * (d // 2), axis=-1))
    return jnp.concatenate([sin_t[:12], cos_t[:12]], axis=-1)


def get_2d_sincos_with_res(grid_size, res, d):
    grid_h = jnp.arange(grid_size, dtype=jnp.float32)
    grid_w = jnp.arange(grid_size, dtype=jnp.float32)
    gw, gh = jnp.meshgrid(grid_w, grid_h, indexing='xy')
    grid = jnp.stack([gw, gh], axis=0)  # 2, H, W
    grid = jnp.einsum('chw,n->cnhw', grid, res)  # 2, n, H, W
    n = res.shape[0]
    emb_h = get_1d_sincos(grid[0], d // 2)
    emb_w = get_1d_sincos(grid[1], d // 2)
    emb = jnp.concatenate([emb_h, emb_w], axis=1)  # (n*H*W, d)
    return emb.reshape(n, grid_size * grid_size, d)


def setup_inputs(seed: int = 0) -> dict:
    key = jax.random.key(seed)
    k1, k2 = jax.random.split(key)
    s2_tokens = jax.random.normal(k1, (8, 16, 16, 12, 4, 128), dtype=jnp.float32)
    timestamps = jax.random.randint(k2, (8, 3, 12), 0, 12)
    # learned channel-group embeddings, initialized to zeros as in the torch module
    channel_embed = jnp.zeros((4, 32), dtype=jnp.float32)
    return {
        'per_modality_input_tokens': s2_tokens,
        'timestamps': timestamps,
        'channel_embed': channel_embed,
        'patch_size': 4,
        'input_res': 10,
    }


def reference(per_modality_input_tokens, timestamps, channel_embed, patch_size, input_res):
    s2_tokens = per_modality_input_tokens
    b, h, w, t, c_g, D = s2_tokens.shape
    d = D // 4  # embedding_dim_per_embedding_type
    # channel group embedding
    ch = jnp.broadcast_to(channel_embed[None, None, None, None, :, :], (b, h, w, t, c_g, d))
    # temporal (1d sincos) position embedding
    pos_embed = get_1d_sincos(jnp.arange(MAX_SEQ_LEN, dtype=jnp.float32), d)
    pos = jnp.broadcast_to(pos_embed[:t][None, None, None, :, None, :], (b, h, w, t, c_g, d))
    # month embedding lookup
    month_table = get_month_table(d)
    months = timestamps[:, 1, :]  # (b, t)
    m = jnp.take(month_table, months, axis=0)  # (b, t, d)
    m = jnp.broadcast_to(m[:, None, None, :, None, :], (b, h, w, t, c_g, d))
    # resolution-aware 2d sincos spatial embedding
    gsd_ratio = jnp.asarray(input_res).astype(jnp.float32) * jnp.asarray(patch_size).astype(jnp.float32) / BASE_GSD
    res = jnp.ones((b,), dtype=jnp.float32) * gsd_ratio
    spatial = get_2d_sincos_with_res(h, res, d)  # (b, h*w, d)
    spatial = spatial.reshape(b, h, w, d)
    sp = jnp.broadcast_to(spatial[:, :, :, None, None, :], (b, h, w, t, c_g, d))
    modality_embed = jnp.concatenate([ch, pos, m, sp], axis=-1)
    return modality_embed + s2_tokens

if __name__ == "__main__":
    import jax
    _d = setup_inputs()
    print(jax.jit(kernel)(*tuple(_d.values())))

</pallas_src>

<mosaic_0001>
#map = affine_map<(d0, d1) -> (0, 0)>
#map1 = affine_map<(d0, d1) -> (0, 0, 0)>
module attributes {stable_mosaic.version = 14 : i64} {
  func.func @_sc_gather_body(%arg0: i32, %arg1: i32, %arg2: memref<8x16xi32, #tpu.memory_space<hbm>>, %arg3: memref<12x128xf32, #tpu.memory_space<hbm>>, %arg4: memref<8x16x128xf32, #tpu.memory_space<hbm>>, %arg5: memref<16xi32, #tpu.memory_space<vmem>>, %arg6: memref<16x128xf32, #tpu.memory_space<vmem>>, %arg7: memref<!tpu.dma_semaphore, #tpu.memory_space<semaphore_mem>>) attributes {dimension_semantics = [#tpu.dimension_semantics<core_parallel>, #tpu.dimension_semantics<subcore_parallel>], iteration_bounds = array<i64: 2, 16>, scalar_prefetch = 0 : i64, scratch_operands = 3 : i64, tpu.core_type = #tpu.core_type<sc_vector_subcore>, window_params = [{transform_indices = #map}, {transform_indices = #map}, {transform_indices = #map1}]} {
    %lt3A = arith.constant 8 : i32
    %lt3A_0 = arith.cmpi slt, %arg1, %lt3A : i32
    %eq3A = arith.constant 0 : i32
    %eq3A_1 = arith.cmpi eq, %arg0, %eq3A : i32
    %and3A = arith.andi %lt3A_0, %eq3A_1 : i1
    %convert_element_type3A = arith.extui %and3A : i1 to i32
    %cond3A = arith.constant 0 : i32
    %cond3A_2 = arith.cmpi ne, %convert_element_type3A, %cond3A : i32
    scf.if %cond3A_2 {
      "tpu.region"() ({
        %run_scoped3A = tpu.sem_alloc : memref<!tpu.dma_semaphore, #tpu.memory_space<semaphore_mem>>
        %dma_start3A_7 = arith.constant 0 : i32
        %dma_start3A_8 = tpu.memref_slice %arg2[%arg1, %dma_start3A_7] : memref<8x16xi32, #tpu.memory_space<hbm>> -> memref<1x16xi32, #tpu.memory_space<hbm>>
        %dma_start3A_9 = tpu.memref_squeeze %dma_start3A_8 : memref<1x16xi32, #tpu.memory_space<hbm>> -> memref<16xi32, #tpu.memory_space<hbm>>
        %dma_start3A_10 = arith.constant 0 : i32
        %dma_start3A_11 = tpu.memref_slice %arg2[%arg1, %dma_start3A_10] : memref<8x16xi32, #tpu.memory_space<hbm>> -> memref<1x16xi32, #tpu.memory_space<hbm>>
        %dma_start3A_12 = tpu.memref_squeeze %dma_start3A_11 : memref<1x16xi32, #tpu.memory_space<hbm>> -> memref<16xi32, #tpu.memory_space<hbm>>
        tpu.enqueue_dma source(%dma_start3A_12 : memref<16xi32, #tpu.memory_space<hbm>>) target(%arg5 : memref<16xi32, #tpu.memory_space<vmem>>) target_semaphore(%run_scoped3A : memref<!tpu.dma_semaphore, #tpu.memory_space<semaphore_mem>>)
        %dma_wait3A_13 = arith.constant 0 : i32
        %dma_wait3A_14 = tpu.memref_slice %arg2[%arg1, %dma_wait3A_13] : memref<8x16xi32, #tpu.memory_space<hbm>> -> memref<1x16xi32, #tpu.memory_space<hbm>>
        %dma_wait3A_15 = tpu.memref_squeeze %dma_wait3A_14 : memref<1x16xi32, #tpu.memory_space<hbm>> -> memref<16xi32, #tpu.memory_space<hbm>>
        %dma_wait3A_16 = arith.constant 0 : i32
        %dma_wait3A_17 = tpu.memref_slice %arg2[%arg1, %dma_wait3A_16] : memref<8x16xi32, #tpu.memory_space<hbm>> -> memref<1x16xi32, #tpu.memory_space<hbm>>
        %dma_wait3A_18 = tpu.memref_squeeze %dma_wait3A_17 : memref<1x16xi32, #tpu.memory_space<hbm>> -> memref<16xi32, #tpu.memory_space<hbm>>
        tpu.wait_dma2 semaphore(%run_scoped3A : memref<!tpu.dma_semaphore, #tpu.memory_space<semaphore_mem>>) src(%dma_wait3A_18 : memref<16xi32, #tpu.memory_space<hbm>>) dst(%arg5 : memref<16xi32, #tpu.memory_space<vmem>>)
        tpu.yield
      }) : () -> ()
      %dma_start3A = arith.constant 0 : i32
      %dma_start3A_3 = arith.constant 0 : i32
      %dma_start3A_4 = tpu.memref_slice %arg3[%dma_start3A, %dma_start3A_3] : memref<12x128xf32, #tpu.memory_space<hbm>> -> memref<12x128xf32, #tpu.memory_space<hbm>>
      tpu.enqueue_indirect_dma source(%dma_start3A_4 : memref<12x128xf32, #tpu.memory_space<hbm>>) target(%arg6 : memref<16x128xf32, #tpu.memory_space<vmem>>) offsets(%arg5 : memref<16xi32, #tpu.memory_space<vmem>>) semaphore(%arg7 : memref<!tpu.dma_semaphore, #tpu.memory_space<semaphore_mem>>)
      %dma_wait3A = arith.constant 0 : i32
      %dma_wait3A_5 = arith.constant 0 : i32
      %dma_wait3A_6 = tpu.memref_slice %arg3[%dma_wait3A, %dma_wait3A_5] : memref<12x128xf32, #tpu.memory_space<hbm>> -> memref<12x128xf32, #tpu.memory_space<hbm>>
      tpu.wait_indirect_dma semaphore(%arg7 : memref<!tpu.dma_semaphore, #tpu.memory_space<semaphore_mem>>) src(%dma_wait3A_6 : memref<12x128xf32, #tpu.memory_space<hbm>>) dst(%arg6 : memref<16x128xf32, #tpu.memory_space<vmem>>)
      "tpu.region"() ({
        %run_scoped3A = tpu.sem_alloc : memref<!tpu.dma_semaphore, #tpu.memory_space<semaphore_mem>>
        %dma_start3A_7 = arith.constant 0 : i32
        %dma_start3A_8 = arith.constant 0 : i32
        %dma_start3A_9 = tpu.memref_slice %arg4[%arg1, %dma_start3A_7, %dma_start3A_8] : memref<8x16x128xf32, #tpu.memory_space<hbm>> -> memref<1x16x128xf32, #tpu.memory_space<hbm>>
        %dma_start3A_10 = tpu.memref_squeeze %dma_start3A_9 : memref<1x16x128xf32, #tpu.memory_space<hbm>> -> memref<16x128xf32, #tpu.memory_space<hbm>>
        %dma_start3A_11 = arith.constant 0 : i32
        %dma_start3A_12 = arith.constant 0 : i32
        %dma_start3A_13 = tpu.memref_slice %arg4[%arg1, %dma_start3A_11, %dma_start3A_12] : memref<8x16x128xf32, #tpu.memory_space<hbm>> -> memref<1x16x128xf32, #tpu.memory_space<hbm>>
        %dma_start3A_14 = tpu.memref_squeeze %dma_start3A_13 : memref<1x16x128xf32, #tpu.memory_space<hbm>> -> memref<16x128xf32, #tpu.memory_space<hbm>>
        tpu.enqueue_dma source(%arg6 : memref<16x128xf32, #tpu.memory_space<vmem>>) target(%dma_start3A_14 : memref<16x128xf32, #tpu.memory_space<hbm>>) target_semaphore(%run_scoped3A : memref<!tpu.dma_semaphore, #tpu.memory_space<semaphore_mem>>)
        %dma_wait3A_15 = arith.constant 0 : i32
        %dma_wait3A_16 = arith.constant 0 : i32
        %dma_wait3A_17 = tpu.memref_slice %arg4[%arg1, %dma_wait3A_15, %dma_wait3A_16] : memref<8x16x128xf32, #tpu.memory_space<hbm>> -> memref<1x16x128xf32, #tpu.memory_space<hbm>>
        %dma_wait3A_18 = tpu.memref_squeeze %dma_wait3A_17 : memref<1x16x128xf32, #tpu.memory_space<hbm>> -> memref<16x128xf32, #tpu.memory_space<hbm>>
        %dma_wait3A_19 = arith.constant 0 : i32
        %dma_wait3A_20 = arith.constant 0 : i32
        %dma_wait3A_21 = tpu.memref_slice %arg4[%arg1, %dma_wait3A_19, %dma_wait3A_20] : memref<8x16x128xf32, #tpu.memory_space<hbm>> -> memref<1x16x128xf32, #tpu.memory_space<hbm>>
        %dma_wait3A_22 = tpu.memref_squeeze %dma_wait3A_21 : memref<1x16x128xf32, #tpu.memory_space<hbm>> -> memref<16x128xf32, #tpu.memory_space<hbm>>
        tpu.wait_dma2 semaphore(%run_scoped3A : memref<!tpu.dma_semaphore, #tpu.memory_space<semaphore_mem>>) src(%arg6 : memref<16x128xf32, #tpu.memory_space<vmem>>) dst(%dma_wait3A_22 : memref<16x128xf32, #tpu.memory_space<hbm>>)
        tpu.yield
      }) : () -> ()
    } else {
    }
    return
  }
}

module attributes {stable_mosaic.version = 14 : i64} {
  func.func @_tc_dense_body(%arg0: i32, %arg1: i32, %arg2: memref<1x1xf32, #tpu.memory_space<smem>>, %arg3: memref<48x128xf32, #tpu.memory_space<vmem>>, %arg4: memref<1x16x128xf32, #tpu.memory_space<vmem>>, %arg5: memref<1x256x48x128xf32, #tpu.memory_space<vmem>>, %arg6: memref<1x256x48x128xf32, #tpu.memory_space<vmem>>) attributes {dimension_semantics = [#tpu.dimension_semantics<parallel>, #tpu.dimension_semantics<parallel>], iteration_bounds = array<i64: 8, 1>, scalar_prefetch = 0 : i64, scratch_operands = 0 : i64, tpu.core_type = #tpu.core_type<tc>, window_params = [{transform_indices = @transform_0, window_bounds = array<i64: 1, 1>}, {pipeline_mode = #tpu.pipeline_mode<synchronous>, transform_indices = @transform_1, window_bounds = array<i64: 48, 128>}, {transform_indices = @transform_2, window_bounds = array<i64: 1, 16, 128>}, {transform_indices = @transform_3, window_bounds = array<i64: 1, 256, 48, 128>}, {transform_indices = @transform_4, window_bounds = array<i64: 1, 256, 48, 128>}]} {
    %get3A = arith.constant 0 : index
    %get3A_0 = arith.constant 0 : index
    %get3A_1 = memref.load %arg2[%get3A, %get3A_0] : memref<1x1xf32, #tpu.memory_space<smem>>
    %get3A_2 = arith.constant 0 : index
    %get3A_3 = arith.constant 0 : index
    %get3A_4 = arith.constant 0 : index
    %get3A_5 = vector.load %arg4[%get3A_2, %get3A_3, %get3A_4] : memref<1x16x128xf32, #tpu.memory_space<vmem>>, vector<1x16x128xf32>
    %get3A_6 = vector.shape_cast %get3A_5 : vector<1x16x128xf32> to vector<16x128xf32>
    %slice3A = vector.extract_strided_slice %get3A_6 {offsets = [0, 0], sizes = [12, 128], strides = [1, 1]} : vector<16x128xf32> to vector<12x128xf32>
    %broadcast_in_dim3A = vector.shape_cast %slice3A : vector<12x128xf32> to vector<12x1x128xf32>
    %broadcast_in_dim3A_7 = vector.shape_cast %broadcast_in_dim3A : vector<12x1x128xf32> to vector<12x1x128xf32>
    %broadcast_in_dim3A_8 = vector.broadcast %broadcast_in_dim3A_7 : vector<12x1x128xf32> to vector<12x4x128xf32>
    %reshape3A = vector.shape_cast %broadcast_in_dim3A_8 : vector<12x4x128xf32> to vector<48x128xf32>
    %get3A_9 = arith.constant 0 : index
    %get3A_10 = arith.constant 0 : index
    %get3A_11 = vector.load %arg3[%get3A_9, %get3A_10] : memref<48x128xf32, #tpu.memory_space<vmem>>, vector<48x128xf32>
    %add3A = arith.addf %get3A_11, %reshape3A : vector<48x128xf32>
    %mul3A = arith.constant 256 : i32
    %mul3A_12 = arith.muli %arg1, %mul3A : i32
    %iota3A = tpu.iota {dimensions = array<i32: 0>} : vector<256x8xi32>
    %add3A_13 = vector.broadcast %mul3A_12 : i32 to vector<256x8xi32>
    %add3A_14 = arith.addi %add3A_13, %iota3A : vector<256x8xi32>
    %jit3A = arith.constant 16 : i32
    %div3A = vector.broadcast %jit3A : i32 to vector<256x8xi32>
    %div3A_15 = arith.divsi %add3A_14, %div3A : vector<256x8xi32>
    %sign3A = arith.constant 0 : i32
    %sign3A_16 = vector.broadcast %sign3A : i32 to vector<256x8xi32>
    %sign3A_17 = arith.cmpi sgt, %add3A_14, %sign3A_16 : vector<256x8xi32>
    %sign3A_18 = arith.extui %sign3A_17 : vector<256x8xi1> to vector<256x8xi32>
    %sign3A_19 = arith.constant 0 : i32
    %sign3A_20 = vector.broadcast %sign3A_19 : i32 to vector<256x8xi32>
    %sign3A_21 = arith.cmpi slt, %add3A_14, %sign3A_20 : vector<256x8xi32>
    %sign3A_22 = arith.extui %sign3A_21 : vector<256x8xi1> to vector<256x8xi32>
    %sign3A_23 = arith.subi %sign3A_18, %sign3A_22 : vector<256x8xi32>
    %sign3A_24 = arith.constant 0 : i32
    %sign3A_25 = arith.cmpi sgt, %jit3A, %sign3A_24 : i32
    %sign3A_26 = arith.extui %sign3A_25 : i1 to i32
    %sign3A_27 = arith.constant 0 : i32
    %sign3A_28 = arith.cmpi slt, %jit3A, %sign3A_27 : i32
    %sign3A_29 = arith.extui %sign3A_28 : i1 to i32
    %sign3A_30 = arith.subi %sign3A_26, %sign3A_29 : i32
    %ne3A = vector.broadcast %sign3A_30 : i32 to vector<256x8xi32>
    %ne3A_31 = arith.cmpi ne, %sign3A_23, %ne3A : vector<256x8xi32>
    %rem3A = vector.broadcast %jit3A : i32 to vector<256x8xi32>
    %rem3A_32 = arith.remsi %add3A_14, %rem3A : vector<256x8xi32>
    %ne3A_33 = arith.constant 0 : i32
    %ne3A_34 = vector.broadcast %ne3A_33 : i32 to vector<256x8xi32>
    %ne3A_35 = arith.cmpi ne, %rem3A_32, %ne3A_34 : vector<256x8xi32>
    %and3A = arith.andi %ne3A_31, %ne3A_35 : vector<256x8xi1>
    %sub3A = arith.constant 1 : i32
    %sub3A_36 = vector.broadcast %sub3A : i32 to vector<256x8xi32>
    %sub3A_37 = arith.subi %div3A_15, %sub3A_36 : vector<256x8xi32>
    %select_n3A = arith.select %and3A, %sub3A_37, %div3A_15 : vector<256x8xi1>, vector<256x8xi32>
    %convert_element_type3A = arith.sitofp %select_n3A : vector<256x8xi32> to vector<256x8xf32>
    %mul3A_38 = vector.broadcast %get3A_1 : f32 to vector<256x8xf32>
    %mul3A_39 = arith.mulf %convert_element_type3A, %mul3A_38 : vector<256x8xf32>
    %jit3A_40 = arith.constant 16 : i32
    %eq3A = arith.constant 0 : i32
    %eq3A_41 = arith.cmpi eq, %jit3A_40, %eq3A : i32
    %jit3A_42 = arith.constant 1 : i32
    %select_n3A_43 = arith.select %eq3A_41, %jit3A_42, %jit3A_40 : i32
    %rem3A_44 = vector.broadcast %select_n3A_43 : i32 to vector<256x8xi32>
    %rem3A_45 = arith.remsi %add3A_14, %rem3A_44 : vector<256x8xi32>
    %ne3A_46 = arith.constant 0 : i32
    %ne3A_47 = vector.broadcast %ne3A_46 : i32 to vector<256x8xi32>
    %ne3A_48 = arith.cmpi ne, %rem3A_45, %ne3A_47 : vector<256x8xi32>
    %lt3A = arith.constant 0 : i32
    %lt3A_49 = vector.broadcast %lt3A : i32 to vector<256x8xi32>
    %lt3A_50 = arith.cmpi slt, %rem3A_45, %lt3A_49 : vector<256x8xi32>
    %lt3A_51 = arith.constant 0 : i32
    %lt3A_52 = arith.cmpi slt, %select_n3A_43, %lt3A_51 : i32
    %ne3A_53 = vector.broadcast %lt3A_52 : i1 to vector<256x8xi1>
    %ne3A_54 = vector.broadcast %ne3A_53 : vector<256x8xi1> to vector<256x8xi1>
    %ne3A_55 = arith.xori %lt3A_50, %ne3A_54 : vector<256x8xi1>
    %and3A_56 = arith.andi %ne3A_55, %ne3A_48 : vector<256x8xi1>
    %add3A_57 = vector.broadcast %select_n3A_43 : i32 to vector<256x8xi32>
    %add3A_58 = arith.addi %rem3A_45, %add3A_57 : vector<256x8xi32>
    %select_n3A_59 = arith.select %and3A_56, %add3A_58, %rem3A_45 : vector<256x8xi1>, vector<256x8xi32>
    %convert_element_type3A_60 = arith.sitofp %select_n3A_59 : vector<256x8xi32> to vector<256x8xf32>
    %mul3A_61 = vector.broadcast %get3A_1 : f32 to vector<256x8xf32>
    %mul3A_62 = arith.mulf %convert_element_type3A_60, %mul3A_61 : vector<256x8xf32>
    %iota3A_63 = tpu.iota {dimensions = array<i32: 1>} : vector<256x8xi32>
    %convert_element_type3A_64 = arith.sitofp %iota3A_63 : vector<256x8xi32> to vector<256x8xf32>
    %div3A_65 = arith.constant 8.000000e+00 : f32
    %div3A_66 = vector.broadcast %div3A_65 : f32 to vector<256x8xf32>
    %div3A_67 = arith.divf %convert_element_type3A_64, %div3A_66 : vector<256x8xf32>
    %pow3A = arith.constant 1.000000e+04 : f32
    %pow3A_68 = vector.broadcast %pow3A : f32 to vector<256x8xf32>
    %pow3A_69 = math.powf %pow3A_68, %div3A_67 : vector<256x8xf32>
    %div3A_70 = arith.constant 1.000000e+00 : f32
    %div3A_71 = vector.broadcast %div3A_70 : f32 to vector<256x8xf32>
    %div3A_72 = arith.divf %div3A_71, %pow3A_69 : vector<256x8xf32>
    %mul3A_73 = arith.mulf %mul3A_62, %div3A_72 : vector<256x8xf32>
    %mul3A_74 = arith.mulf %mul3A_39, %div3A_72 : vector<256x8xf32>
    %broadcast_in_dim3A_75 = arith.constant 0.000000e+00 : f32
    %broadcast_in_dim3A_76 = vector.broadcast %broadcast_in_dim3A_75 : f32 to vector<256x96xf32>
    %sin3A = math.sin %mul3A_73 : vector<256x8xf32>
    %cos3A = math.cos %mul3A_73 : vector<256x8xf32>
    %sin3A_77 = math.sin %mul3A_74 : vector<256x8xf32>
    %cos3A_78 = math.cos %mul3A_74 : vector<256x8xf32>
    %concatenate3A = tpu.concatenate %broadcast_in_dim3A_76, %sin3A, %cos3A, %sin3A_77, %cos3A_78 in 1 : vector<256x96xf32>, vector<256x8xf32>, vector<256x8xf32>, vector<256x8xf32>, vector<256x8xf32> -> vector<256x128xf32>
    %get3A_79 = arith.constant 0 : index
    %get3A_80 = arith.constant 0 : index
    %get3A_81 = arith.constant 0 : index
    %get3A_82 = arith.constant 0 : index
    %get3A_83 = vector.load %arg5[%get3A_79, %get3A_80, %get3A_81, %get3A_82] : memref<1x256x48x128xf32, #tpu.memory_space<vmem>>, vector<1x256x48x128xf32>
    %get3A_84 = vector.shape_cast %get3A_83 : vector<1x256x48x128xf32> to vector<256x48x128xf32>
    %broadcast_in_dim3A_85 = vector.shape_cast %add3A : vector<48x128xf32> to vector<1x48x128xf32>
    %add3A_86 = vector.broadcast %broadcast_in_dim3A_85 : vector<1x48x128xf32> to vector<256x48x128xf32>
    %add3A_87 = arith.addf %get3A_84, %add3A_86 : vector<256x48x128xf32>
    %broadcast_in_dim3A_88 = vector.shape_cast %concatenate3A : vector<256x128xf32> to vector<256x1x128xf32>
    %add3A_89 = vector.broadcast %broadcast_in_dim3A_88 : vector<256x1x128xf32> to vector<256x48x128xf32>
    %add3A_90 = arith.addf %add3A_87, %add3A_89 : vector<256x48x128xf32>
    %swap3A = arith.constant 0 : index
    %swap3A_91 = arith.constant 0 : index
    %swap3A_92 = arith.constant 0 : index
    %swap3A_93 = arith.constant 0 : index
    %swap3A_94 = vector.load %arg6[%swap3A, %swap3A_91, %swap3A_92, %swap3A_93] : memref<1x256x48x128xf32, #tpu.memory_space<vmem>>, vector<1x256x48x128xf32>
    %swap3A_95 = vector.shape_cast %swap3A_94 : vector<1x256x48x128xf32> to vector<256x48x128xf32>
    %swap3A_96 = vector.shape_cast %add3A_90 : vector<256x48x128xf32> to vector<1x256x48x128xf32>
    tpu.vector_store %arg6[%swap3A, %swap3A_91, %swap3A_92, %swap3A_93], %swap3A_96 {strides = array<i32>} : memref<1x256x48x128xf32, #tpu.memory_space<vmem>>, vector<1x256x48x128xf32>,
    return
  }
  func.func @transform_0(%arg0: i32, %arg1: i32) -> (i32, i32) {
    %c0_i32 = arith.constant 0 : i32
    %c0_i32_0 = arith.constant 0 : i32
    %c0_i32_1 = arith.constant 0 : i32
    return %c0_i32, %c0_i32_0 : i32, i32
  }
  func.func @transform_1(%arg0: i32, %arg1: i32) -> (i32, i32) {
    %c0_i32 = arith.constant 0 : i32
    %c0_i32_0 = arith.constant 0 : i32
    %c0_i32_1 = arith.constant 0 : i32
    return %c0_i32, %c0_i32_0 : i32, i32
  }
  func.func @transform_2(%arg0: i32, %arg1: i32) -> (i32, i32, i32) {
    %c0_i32 = arith.constant 0 : i32
    %c0_i32_0 = arith.constant 0 : i32
    %c0_i32_1 = arith.constant 0 : i32
    return %arg0, %c0_i32, %c0_i32_0 : i32, i32, i32
  }
  func.func @transform_3(%arg0: i32, %arg1: i32) -> (i32, i32, i32, i32) {
    %c0_i32 = arith.constant 0 : i32
    %c0_i32_0 = arith.constant 0 : i32
    %c0_i32_1 = arith.constant 0 : i32
    return %arg0, %arg1, %c0_i32, %c0_i32_0 : i32, i32, i32, i32
  }
  func.func @transform_4(%arg0: i32, %arg1: i32) -> (i32, i32, i32, i32) {
    %c0_i32 = arith.constant 0 : i32
    %c0_i32_0 = arith.constant 0 : i32
    %c0_i32_1 = arith.constant 0 : i32
    return %arg0, %arg1, %c0_i32, %c0_i32_0 : i32, i32, i32, i32
  }
}

</mosaic_0001>

<sc_bundles>
// kernel: kernel.4.cloned.1.call-start
scs
__scs_entry_jumppad:
0x0: {  	(pc) =	sbr.rel $0x88, $3  }
0x1: {  	(tag) =	ssettag $0x0;
	lr =	simm.s32 $0x1  }
0x2: {  	[smem:$0x3F9C] =	sst lr;
	_ =	strace $0xD0000000  }
0x3: {  	_ = 	snop  }
0x4: {  	_ = 	snop  }
0x5: {  	_ = 	snop  }
0x6: {  	_ = 	snop  }
0x7: {  	_ = 	snop  }
__scs_overlays_trampoline_lowered:
0x8: {  	[smem:$0x3FAB] =	sst s0  }
0x9: {  	[smem:$0x3FAC] =	sst s1  }
0xa: {  	[smem:$0x3FAD] =	sst s2  }
0xb: {  	[smem:$0x3FAE] =	sst s3  }
0xc: {  	[smem:$0x3FAF] =	sst s4  }
0xd: {  	[smem:$0x3FB0] =	sst s5  }
0xe: {  	[smem:$0x3FB1] =	sst s6  }
0xf: {  	[smem:$0x3FB2] =	sst s7  }
0x10: {  	[smem:$0x3FB3] =	sst s8  }
0x11: {  	[smem:$0x3FB4] =	sst s9;
	s0 =	simm.s32 @!p0 $0x0  }
0x12: {  	s1 =	sld [smem:$0x3F9A];
	s0 =	simm.s32 @p0 $0x1  }
0x13: {  	[smem:$0x3FB5] =	sst s0;
	s0 =	simm.s32 @!p1 $0x0  }
0x14: {  	s2 =	sld [smem:$0x3F99];
	s0 =	simm.s32 @p1 $0x1  }
0x15: {  	[smem:$0x3FB6] =	sst s0;
	s0 =	simm.s32 @!p2 $0x0  }
0x16: {  	s3 =	sld [smem:$0x3FDB];
	s0 =	simm.s32 @p2 $0x1  }
0x17: {  	s4 =	simm.s32 $0x1BF5;
	[smem:$0x3FB8] =	sst s0  }
0x18: {  	s0 =	sld [smem:$0x3F9B];
	_ =	swait.ge [sflag:s4], $0x0  }
0x19: {  	s7 =	sld [smem:$0x3F9C]  }
0x1a: {  	s8 =	sadd.s32 $0xFFFFE003, lr  }
0x1b: {  	s9 =	sadd.s32 $0xFFFFFEF7, lr;
	s5 =	simm.s32 $0xFFFFFFFF;
	p2 =	slt.u32 s8, $0xFFFFF086  }
0x1c: {  	p1 =	slt.u32 s9, $0xF7A;
	s5 =	simm.s32 @!p2 $0x0  }
0x1d: {  	s5 =	simm.s32 @p1 $0x1;
	p0 =	seq.s32 s7, s2  }
0x1e: {  	s7 =	smul.u32 @!p0 $0xF7A, s2;
	p2 =	seq.s32 @!p0 s5, $0x0  }
0x1f: {  	s9 =	smul.u32 $0xF7A, s1;
	s8 =	simm.s32 @!p0 $0x1BF5;
	p2 =	por !p2, p0  }
0x20: {  	[sflag:s8] =	ssyncset.s32 @!p0 $0xFFFFF086;
	s6 =	sadd.s32 @!p0 s3, s7;
	s7 =	simm.s32 @!p0 $0x108  }
0x21: {  	s3 =	sadd.s32 s3, s9;
	s6 =	sadd.s32 @!p0 $0x88, s6;
	s7 =	simm.s32 @p2 $0x1082  }
0x22: {  	[simem:s7], [sflag:s8] =	dma.local @!p0 [hbm:s6], $0xF7A  }
0x23: {  	s9 =	sor.u32 $0xD0000000, s2;
	s6 =	simm.s32 $0x108;
	_ =	swait.ge @!p0 [sflag:s8], $0x0  }
0x24: {  	s3 =	sadd.s32 $0x88, s3;
	s6 =	simm.s32 @!p1 $0x1082;
	[sflag:s4] =	ssyncset.s32 $0xFFFFF086  }
0x25: {  	[simem:s6], [sflag:s4] =	dma.local [hbm:s3], $0xF7A  }
0x26: {  	[smem:$0x3F9C] =	sst s1;
	(tag) =	ssettag s2;
	_ =	strace s9  }
0x27: {  	s1 =	sld [smem:$0x3FAC]  }
0x28: {  	s2 =	sld [smem:$0x3FAD]  }
0x29: {  	s4 =	sld [smem:$0x3FAF]  }
0x2a: {  	p0 =	seq.s32 s5, $0x0;
	s5 =	sld [smem:$0x3FB0]  }
0x2b: {  	s6 =	sld [smem:$0x3FB1]  }
0x2c: {  	s7 =	sld [smem:$0x3FB2]  }
0x2d: {  	s3 =	simm.s32 $0x108;
	s8 =	sld [smem:$0x3FB3]  }
0x2e: {  	s3 =	simm.s32 @!p0 $0x1082;
	s9 =	sld [smem:$0x3FB4]  }
0x2f: {  	lr =	sadd.s32 s0, s3;
	s0 =	sld [smem:$0x3FAB]  }
0x30: {  	s3 =	sld [smem:$0x3FAE]  }
0x31: {  	[smem:$0x3FB7] =	sst s10  }
0x32: {  	s10 =	sld [smem:$0x3FB5];
	_ =	sdelay $0x3  }
0x33: {  	p0 =	seq.s32 s10, $0x1;
	s10 =	sld [smem:$0x3FB7];
	_ =	sdelay $0x3  }
0x34: {  	[smem:$0x3FB7] =	sst s10  }
0x35: {  	s10 =	sld [smem:$0x3FB6];
	_ =	sdelay $0x3  }
0x36: {  	p1 =	seq.s32 s10, $0x1;
	s10 =	sld [smem:$0x3FB7];
	_ =	sdelay $0x3  }
0x37: {  	[smem:$0x3FB7] =	sst s10  }
0x38: {  	s10 =	sld [smem:$0x3FB8]  }
0x39: {  	_ = 	snop;
	(pc) =	sbr.ind lr, $3  }
0x3a: {  	_ = 	snop  }
0x3b: {  	_ = 	snop  }
0x3c: {  	p2 =	seq.s32 s10, $0x1;
	s10 =	sld [smem:$0x3FB7]  }
0x3d: {  	_ =	shalt  }
0x3e: {  	_ =	shalt  }
0x3f: {  	_ =	shalt  }
0x40: {  	_ =	shalt  }
0x41: {  	_ =	shalt  }
0x42: {  	_ =	shalt  }
0x43: {  	_ =	shalt  }
0x44: {  	_ =	shalt  }
0x45: {  	_ =	shalt  }
0x46: {  	_ =	shalt  }
0x47: {  	_ =	shalt  }
0x48: {  	_ =	shalt  }
0x49: {  	_ =	shalt  }
0x4a: {  	_ =	shalt  }
0x4b: {  	_ =	shalt  }
0x4c: {  	_ =	shalt  }
0x4d: {  	_ =	shalt  }
0x4e: {  	_ =	shalt  }
0x4f: {  	_ =	shalt  }
0x50: {  	_ =	shalt  }
0x51: {  	_ =	shalt  }
0x52: {  	_ =	shalt  }
0x53: {  	_ =	shalt  }
0x54: {  	_ =	shalt  }
0x55: {  	_ =	shalt  }
0x56: {  	_ =	shalt  }
0x57: {  	_ =	shalt  }
0x58: {  	_ =	shalt  }
0x59: {  	_ =	shalt  }
0x5a: {  	_ =	shalt  }
0x5b: {  	_ =	shalt  }
0x5c: {  	_ =	shalt  }
0x5d: {  	_ =	shalt  }
0x5e: {  	_ =	shalt  }
0x5f: {  	_ =	shalt  }
0x60: {  	_ =	shalt  }
0x61: {  	_ =	shalt  }
0x62: {  	_ =	shalt  }
0x63: {  	_ =	shalt  }
0x64: {  	_ =	shalt  }
0x65: {  	_ =	shalt  }
0x66: {  	_ =	shalt  }
0x67: {  	_ =	shalt  }
0x68: {  	_ =	shalt  }
0x69: {  	_ =	shalt  }
0x6a: {  	_ =	shalt  }
0x6b: {  	_ =	shalt  }
0x6c: {  	_ =	shalt  }
0x6d: {  	_ =	shalt  }
0x6e: {  	_ =	shalt  }
0x6f: {  	_ =	shalt  }
0x70: {  	_ =	shalt  }
0x71: {  	_ =	shalt  }
0x72: {  	_ =	shalt  }
0x73: {  	_ =	shalt  }
0x74: {  	_ =	shalt  }
0x75: {  	_ =	shalt  }
0x76: {  	_ =	shalt  }
0x77: {  	_ =	shalt  }
0x78: {  	_ =	shalt  }
0x79: {  	_ =	shalt  }
0x7a: {  	_ =	shalt  }
0x7b: {  	_ =	shalt  }
0x7c: {  	_ =	shalt  }
0x7d: {  	_ =	shalt  }
0x7e: {  	_ =	shalt  }
0x7f: {  	_ =	shalt  }
0x80: {  	_ =	shalt  }
0x81: {  	_ =	shalt  }
0x82: {  	_ =	shalt  }
0x83: {  	_ =	shalt  }
0x84: {  	_ =	shalt  }
0x85: {  	_ =	shalt  }
0x86: {  	_ =	shalt  }
0x87: {  	_ =	shalt  }
.Lfunc_end0:
.L_simem_size_0:
called_computation_lowered:
.L_overlay_start_0:
0x88: {  	s2 =	sld [smem:$0x3FD9]  }
0x89: {  	s3 =	sld [smem:$0x3FFE];
	_ =	sdelay $0x1  }
0x8a: {  	s1 =	srdreg.scid  }
0x8b: {  	s0 =	sand.u32 $0x1, s1  }
0x8c: {  	s17 =	sshll.u32 s0, $0xA;
	s2 =	sadd.s32 s3, s2  }
0x8d: {  	s2 =	sadd.s32 s2, s17  }
0x8e: {  	[smem:$0x3FC3] =	sst s2  }
0x8f: {  	_ = 	snop  }
0x90: {  	s2 =	sld [smem:$0x3FD0];
	(tm) =	ssettm $0x1  }
0x91: {  	s18 =	sld [smem:$0x3FFB];
	_ =	sdelay $0x3  }
0x92: {  	_ =	strace s18  }
0x93: {  	s3 =	sld [smem:$0x3FFC];
	_ =	sdelay $0x3  }
0x94: {  	_ =	strace s3  }
0x95: {  	s3 =	sld [smem:$0x3FFD];
	_ =	sdelay $0x3  }
0x96: {  	_ =	strace s3  }
0x97: {  	_ =	strace $0x8FFFFFFF  }
0x98: {  	s19 =	sld [smem:$0x3FDB];
	_ =	sdelay $0x1  }
0x99: {  	s4 =	simm.s32 $_scs_section_size  }
0x9a: {  	s5 =	simm.s32 $_size__tile_overlayer_lowered;
	s6 =	simm.s32 $_tile_overlayer_lowered  }
0x9b: {  	s22 =	simm.s32 $0x1BFF;
	s21 =	sshll.u32 s6, $0x1;
	s3 =	sadd.s32 s4, s19  }
0x9c: {  	s7 =	simm.s32 $0x0;
	s20 =	sshll.u32 s5, $0x1;
	s5 =	sadd.s32 s21, s3  }
0x9d: {  	[timem:s7], [sflag:s22] =	dma.local [hbm:s5], s20  }
0x9e: {  	_ =	swait.ge [sflag:s22], s20  }
0x9f: {  	s4 =	ssub.s32 $0x0, s20;
	[sflag:s22] =	ssyncset.done $0x0  }
0xa0: {  	[sflag:s22] =	ssyncadd.s32 s4;
	_ =	sdelay $0x1  }
0xa1: {  	s23 =	simm.s32 $0x1B8B  }
0xa2: {  	_ =	swait.ge [sflag:s23], $0x1  }
0xa3: {  	[sflag:s23] =	ssyncset.done $0x0  }
0xa4: {  	s25 =	simm.s32 $0x1B8E;
	s24 =	sld [smem:$0x3FFE];
	[sflag:s23] =	ssyncadd.s32 $0xFFFFFFFF  }
0xa5: {  	s26 =	simm.s32 $execute0_lowered;
	[smem:$0x3FD2] =	sst s25  }
0xa6: {  	s5 =	sshll.u32 s26, $0x1;
	_ =	strace $0x80000046;
	[dreg:$0x1] =	wrdreg $0xFFFFFFFF  }
0xa7: {  	s28 =	simm.s32 $_size_execute0_lowered;
	s3 =	sadd.s32 s3, s5;
	[dreg:$0x0] =	wrdreg $0x0  }
0xa8: {  	s5 =	sshll.u32 s28, $0x1;
	[dreg:$0x2] =	wrdreg s3  }
0xa9: {  	[dreg:$0x3] =	wrdreg s5  }
0xaa: {  	[dreg:$0x4] =	wrdreg $0xC0  }
0xab: {  	_ =	task [dreg:s7], $0x5FFFF  }
0xac: {  	[dreg:$0x1] =	wrdreg $0xFFFFFFFF  }
0xad: {  	[dreg:$0x0] =	wrdreg $0x60  }
0xae: {  	[dreg:$0x2] =	wrdreg s24  }
0xaf: {  	[dreg:$0x3] =	wrdreg s2  }
0xb0: {  	[dreg:$0x4] =	wrdreg $0x9  }
0xb1: {  	_ =	task.clear_ibuf [dreg:s7], $0x5FFFF;
	_ =	strace $0x90000046  }
0xb2: {  	s29 =	simm.s32 $0x9;
	_ =	strace $0x80000048  }
0xb3: {  	_ =	swait.ge [sflag:s29], $0x1  }
0xb4: {  	[sflag:s29] =	ssyncadd.s32 $0xFFFFFFFF  }
0xb5: {  	_ =	strace $0x90000048  }
0xb6: {  	_ =	sfence  }
0xb7: {  	s30 =	sld [smem:$0x0];
	_ =	sdelay $0x2  }
0xb8: {  	s31 =	sshll.u32 s1, $0xD;
	s1 =	sshrl.u32 s1, $0x2  }
0xb9: {  	s3 =	sand.u32 $0x4000, s31;
	s1 =	sadd.s32 s1, s30  }
0xba: {  	s0 =	sor.u32 s3, s0;
	s1 =	sshll.u32 s1, $0x11  }
0xbb: {  	s0 =	sor.u32 s1, s0  }
0xbc: {  	s0 =	sadd.s32 $0x8F2B, s0  }
0xbd: {  	[sflag:s0] =	ssyncadd.remote.s32 $0x1  }
0xbe: {  	_ =	sfence.sel $0xFFFF  }
0xbf: {  	[dreg:$0x0] =	wrdreg $0xFFFFFFFF;
	(pc) =	sbr.abs _section_cstart, $3  }
0xc0: {  	[dreg:$0x1] =	wrdreg $0xFFFFFFFF  }
0xc1: {  	_ =	task.clear_ibuf [dreg:s7], $0x2FFFF;
	_ =	strace $0x9FFFFFFF  }
0xc2: {  	(tm) =	ssettm $0x7FFFFFFF  }
0xc3: {  	_ =	shalt  }
tec
execute0_lowered:
.L_overlay_start_1:
0x0: {  	(tag) =	ssettag $0x1  }
0x1: {  	s0 =	srdreg.scid;
	s1 =	stileid.u32  }
0x2: {  	s2 =	rddreg [dreg:$0x0];
	s0 =	sand.u32 $0x1, s0;
	p0 =	sgt.u32 s1, $0x7  }
0x3: {  	s3 =	rddreg [dreg:$0x1];
	s4 =	simm.s32 $0x0;
	p1 =	sne.s32 @!p0 s0, $0x0  }
0x4: {  	[smem:$0x7FF] =	sst s4;
	p0 =	por p1, p0  }
0x5: {  	s4 =	sadd.s32 $0x600, s2;
	s0 =	rddreg [dreg:$0x2];
	s5 =	sshll.u32 @!p0 s1, $0x4  }
0x6: {  	_ =	strace $0x80000047;
	s4 =	sadd.s32 @!p0 s4, s5;
	s5 =	simm.s32 @!p0 $0x0  }
0x7: {  	[tilespmem:s5], [sflag:$0x2] =	stream.linear.gather @!p0 [hbm4b:s4+s5], $0x80, $0x38;
	[tilespmem:$0x880] =	vst v63  }
0x8: {  	s4 =	simm.s32 @!p0 $0x2  }
0x9: {  	_ =	swait.ge @!p0 [sflag:s4], $0x80  }
0xa: {  	s2 =	sadd.s32 $0x800, s2;
	[sflag:s4] =	ssyncset.done @!p0 $0x0  }
0xb: {  	s6 =	simm.s32 @!p0 $0x10;
	s7 =	simm.s32 @!p0 $0x80;
	[sflag:s4] =	ssyncadd.s32 @!p0 $0xFFFFFF80  }
0xc: {  	[tilespmem:s7], [sflag:$0x1] =	stream.indirect.gather @!p0 [hbm4b:s2+s6], $0x80, s5, s6, $0xb8;
	[tilespmem:$0x880] =	vst v63  }
0xd: {  	s2 =	simm.s32 @!p0 $0x1  }
0xe: {  	_ =	swait.ge @!p0 [sflag:s2], $0x800  }
0xf: {  	s6 =	sshll.u32 @!p0 s1, $0x8;
	[sflag:s2] =	ssyncset.done @!p0 $0x0  }
0x10: {  	s3 =	sadd.s32 @!p0 s3, s6;
	[sflag:s2] =	ssyncadd.s32 @!p0 $0xFFFFF800  }
0x11: {  	[hbm4b:s3+s5] =	stream.linear.scatter @!p0 [tilespmem:s7], [sflag:$0x2], $0x800, $0x38;
	[tilespmem:$0x880] =	vst v63  }
0x12: {  	_ =	swait.ge @!p0 [sflag:s4], $0x800  }
0x13: {  	[sflag:s4] =	ssyncset.done @!p0 $0x0  }
0x14: {  	[sflag:s4] =	ssyncadd.s32 @!p0 $0xFFFFF800  }
0x15: {  	_ =	sfence.sel $0x180000  }
0x16: {  	[bflag:$0x0] =	sbarrier.arrive $0xFFFF  }
0x17: {  	p0 =	sne.s32 s1, $0x0;
	_ =	strace $0x90000047  }
0x18: {  	s0 =	sadd.s32 @!p0 $0x100000, s0;
	[bflag:$0x2] =	sbarrier.arrive $0xFFFF  }
0x19: {  	[sflag:s0] =	ssyncadd.tile.s32 @!p0 $0x1;
	_ =	shalt  }
.Lfunc_end2:
_tile_overlayer_lowered:
.L_overlay_start_2:
0x1a: {  	(tag) =	ssettag $0x2  }
0x1b: {  	s0 =	rddreg [dreg:$0x0];
	s2 =	stileid.u32  }
0x1c: {  	s1 =	rddreg [dreg:$0x1];
	p0 =	sne.s32 s2, $0x0  }
0x1d: {  	s3 =	rddreg [dreg:$0x2];
	[bflag:$0x3] =	sbarrier.arrive $0xFFFF;
	s2 =	simm.s32 @!p0 $0x1C02  }
0x1e: {  	[timem:s3], [sflag:s2] =	dma.local @!p0 [hbm:s0], s1  }
0x1f: {  	s0 =	simm.s32 @!p0 $0x2  }
0x20: {  	_ =	swait.ge @!p0 [sflag:s0], s1  }
0x21: {  	s1 =	ssub.s32 @!p0 $0x0, s1;
	[sflag:s0] =	ssyncset.done @!p0 $0x0  }
0x22: {  	[sflag:s0] =	ssyncadd.s32 @!p0 s1  }
0x23: {  	[bflag:$0x3] =	sbarrier.arrive $0xFFFF  }
0x24: {  	_ =	shalt  }

</sc_bundles>
